<compile_context>
chip_gen: v7x
topology: tpu7x:2x2x1
jax: 0.10.2.dev20260603
libtpu: 0.0.44.dev20260713+nightly
codegen_flags: <defaults>
</compile_context>

<pallas_src>
import functools
import jax
import jax.numpy as jnp
from jax import lax
from jax.experimental import pallas as pl
from jax.experimental.pallas import tpu as pltpu
from jax.experimental.pallas import tpu_sc as plsc

VOCAB = 100000
D = 64
BATCH = 16384
_mesh = plsc.VectorSubcoreMesh(core_axis_name="c", subcore_axis_name="s")

@functools.partial(
    pl.kernel, mesh=_mesh,
    out_type=jax.ShapeDtypeStruct((D, BATCH), jnp.float32),
    scratch_types=[
        pltpu.VMEM((1, VOCAB), jnp.float32),
        pltpu.VMEM((1, BATCH), jnp.float32),
        pltpu.SemaphoreType.DMA,
    ],
    compiler_params=pltpu.CompilerParams(needs_layout_passes=False),
)
def _probe(ids_hbm, tab_hbm, out_hbm, vocab, acc, sem):
    wid = lax.axis_index("s") * 2 + lax.axis_index("c")
    cps = []
    for e_local in range(2):
        for i in range(4):
            row = i * D + 2 * wid + e_local
            cps.append(pltpu.make_async_copy(tab_hbm.at[pl.ds(row, 1)], vocab, sem))
    for cp in cps:
        cp.start()
    for cp in cps:
        cp.wait()
    for e_local in range(2):
        pltpu.sync_copy(acc, out_hbm.at[pl.ds(2 * wid + e_local, 1)])

def kernel(semantic_ids, tables):
    tab_t = jnp.transpose(tables, (0, 2, 1)).reshape(256, VOCAB)
    ids_t = jnp.transpose(semantic_ids).astype(jnp.int32)
    out_t = _probe(ids_t, tab_t)
    return jnp.transpose(out_t)

# --- scband reference (transcript-rebuilt; emitter-appended) ---
"""Pipeline reference for scband-semantic-embedding-layer-4071628997240 (READ-ONLY COPY).

The authoritative reference and input builder live on the scoring server;
editing this copy changes nothing except your own understanding.
"""

import jax, jax.numpy as jnp
import numpy as np

N_CODEBOOKS = 4
CODEBOOK_SIZE = 100000
EMBED_DIM = 64
BATCH = 16384

def setup_inputs(seed: int = 0) -> dict:
    key = jax.random.key(seed)
    k_ids, k_tab = jax.random.split(key)
    semantic_ids = jax.random.randint(k_ids, (BATCH, N_CODEBOOKS), 0, CODEBOOK_SIZE, dtype=jnp.int64 if jax.config.read('jax_enable_x64') else jnp.int32)
    tables = jax.random.normal(k_tab, (N_CODEBOOKS, CODEBOOK_SIZE, EMBED_DIM), dtype=jnp.float32)
    return {"semantic_ids": semantic_ids, "tables": tables}

def reference(semantic_ids, tables):
    # out = sum_i embeddings[i](semantic_ids[:, i])
    out = jnp.zeros((semantic_ids.shape[0], tables.shape[-1]), dtype=tables.dtype)
    for i in range(tables.shape[0]):
        out = out + jnp.take(tables[i], semantic_ids[:, i], axis=0)
    return out

if __name__ == "__main__":
    import jax
    _d = setup_inputs()
    print(jax.jit(kernel)(*tuple(_d.values())))

</pallas_src>

<mosaic_0001>
#map = affine_map<(d0, d1) -> (0, 0)>
module attributes {stable_mosaic.version = 14 : i64} {
  func.func @_probe(%arg0: i32, %arg1: i32, %arg2: memref<4x16384xi32, #tpu.memory_space<hbm>>, %arg3: memref<256x100000xf32, #tpu.memory_space<hbm>>, %arg4: memref<64x16384xf32, #tpu.memory_space<hbm>>, %arg5: memref<1x100000xf32, #tpu.memory_space<vmem>>, %arg6: memref<1x16384xf32, #tpu.memory_space<vmem>>, %arg7: memref<!tpu.dma_semaphore, #tpu.memory_space<semaphore_mem>>) attributes {dimension_semantics = [#tpu.dimension_semantics<core_parallel>, #tpu.dimension_semantics<subcore_parallel>], iteration_bounds = array<i64: 2, 16>, scalar_prefetch = 0 : i64, scratch_operands = 3 : i64, tpu.core_type = #tpu.core_type<sc_vector_subcore>, window_params = [{transform_indices = #map}, {transform_indices = #map}, {transform_indices = #map}]} {
    %mul3A = arith.constant 2 : i32
    %mul3A_0 = arith.muli %arg1, %mul3A : i32
    %add3A = arith.addi %mul3A_0, %arg0 : i32
    %mul3A_1 = arith.constant 2 : i32
    %mul3A_2 = arith.muli %mul3A_1, %add3A : i32
    %add3A_3 = arith.constant 0 : i32
    %add3A_4 = arith.addi %add3A_3, %mul3A_2 : i32
    %add3A_5 = arith.constant 0 : i32
    %add3A_6 = arith.addi %add3A_4, %add3A_5 : i32
    %mul3A_7 = arith.constant 2 : i32
    %mul3A_8 = arith.muli %mul3A_7, %add3A : i32
    %add3A_9 = arith.constant 64 : i32
    %add3A_10 = arith.addi %add3A_9, %mul3A_8 : i32
    %add3A_11 = arith.constant 0 : i32
    %add3A_12 = arith.addi %add3A_10, %add3A_11 : i32
    %mul3A_13 = arith.constant 2 : i32
    %mul3A_14 = arith.muli %mul3A_13, %add3A : i32
    %add3A_15 = arith.constant 128 : i32
    %add3A_16 = arith.addi %add3A_15, %mul3A_14 : i32
    %add3A_17 = arith.constant 0 : i32
    %add3A_18 = arith.addi %add3A_16, %add3A_17 : i32
    %mul3A_19 = arith.constant 2 : i32
    %mul3A_20 = arith.muli %mul3A_19, %add3A : i32
    %add3A_21 = arith.constant 192 : i32
    %add3A_22 = arith.addi %add3A_21, %mul3A_20 : i32
    %add3A_23 = arith.constant 0 : i32
    %add3A_24 = arith.addi %add3A_22, %add3A_23 : i32
    %mul3A_25 = arith.constant 2 : i32
    %mul3A_26 = arith.muli %mul3A_25, %add3A : i32
    %add3A_27 = arith.constant 0 : i32
    %add3A_28 = arith.addi %add3A_27, %mul3A_26 : i32
    %add3A_29 = arith.constant 1 : i32
    %add3A_30 = arith.addi %add3A_28, %add3A_29 : i32
    %mul3A_31 = arith.constant 2 : i32
    %mul3A_32 = arith.muli %mul3A_31, %add3A : i32
    %add3A_33 = arith.constant 64 : i32
    %add3A_34 = arith.addi %add3A_33, %mul3A_32 : i32
    %add3A_35 = arith.constant 1 : i32
    %add3A_36 = arith.addi %add3A_34, %add3A_35 : i32
    %mul3A_37 = arith.constant 2 : i32
    %mul3A_38 = arith.muli %mul3A_37, %add3A : i32
    %add3A_39 = arith.constant 128 : i32
    %add3A_40 = arith.addi %add3A_39, %mul3A_38 : i32
    %add3A_41 = arith.constant 1 : i32
    %add3A_42 = arith.addi %add3A_40, %add3A_41 : i32
    %mul3A_43 = arith.constant 2 : i32
    %mul3A_44 = arith.muli %mul3A_43, %add3A : i32
    %add3A_45 = arith.constant 192 : i32
    %add3A_46 = arith.addi %add3A_45, %mul3A_44 : i32
    %add3A_47 = arith.constant 1 : i32
    %add3A_48 = arith.addi %add3A_46, %add3A_47 : i32
    %dma_start3A = arith.constant 0 : i32
    %dma_start3A_49 = tpu.memref_slice %arg3[%add3A_6, %dma_start3A] : memref<256x100000xf32, #tpu.memory_space<hbm>> -> memref<1x100000xf32, #tpu.memory_space<hbm>>
    %dma_start3A_50 = arith.constant 0 : i32
    %dma_start3A_51 = tpu.memref_slice %arg3[%add3A_6, %dma_start3A_50] : memref<256x100000xf32, #tpu.memory_space<hbm>> -> memref<1x100000xf32, #tpu.memory_space<hbm>>
    tpu.enqueue_dma source(%dma_start3A_51 : memref<1x100000xf32, #tpu.memory_space<hbm>>) target(%arg5 : memref<1x100000xf32, #tpu.memory_space<vmem>>) target_semaphore(%arg7 : memref<!tpu.dma_semaphore, #tpu.memory_space<semaphore_mem>>)
    %dma_start3A_52 = arith.constant 0 : i32
    %dma_start3A_53 = tpu.memref_slice %arg3[%add3A_12, %dma_start3A_52] : memref<256x100000xf32, #tpu.memory_space<hbm>> -> memref<1x100000xf32, #tpu.memory_space<hbm>>
    %dma_start3A_54 = arith.constant 0 : i32
    %dma_start3A_55 = tpu.memref_slice %arg3[%add3A_12, %dma_start3A_54] : memref<256x100000xf32, #tpu.memory_space<hbm>> -> memref<1x100000xf32, #tpu.memory_space<hbm>>
    tpu.enqueue_dma source(%dma_start3A_55 : memref<1x100000xf32, #tpu.memory_space<hbm>>) target(%arg5 : memref<1x100000xf32, #tpu.memory_space<vmem>>) target_semaphore(%arg7 : memref<!tpu.dma_semaphore, #tpu.memory_space<semaphore_mem>>)
    %dma_start3A_56 = arith.constant 0 : i32
    %dma_start3A_57 = tpu.memref_slice %arg3[%add3A_18, %dma_start3A_56] : memref<256x100000xf32, #tpu.memory_space<hbm>> -> memref<1x100000xf32, #tpu.memory_space<hbm>>
    %dma_start3A_58 = arith.constant 0 : i32
    %dma_start3A_59 = tpu.memref_slice %arg3[%add3A_18, %dma_start3A_58] : memref<256x100000xf32, #tpu.memory_space<hbm>> -> memref<1x100000xf32, #tpu.memory_space<hbm>>
    tpu.enqueue_dma source(%dma_start3A_59 : memref<1x100000xf32, #tpu.memory_space<hbm>>) target(%arg5 : memref<1x100000xf32, #tpu.memory_space<vmem>>) target_semaphore(%arg7 : memref<!tpu.dma_semaphore, #tpu.memory_space<semaphore_mem>>)
    %dma_start3A_60 = arith.constant 0 : i32
    %dma_start3A_61 = tpu.memref_slice %arg3[%add3A_24, %dma_start3A_60] : memref<256x100000xf32, #tpu.memory_space<hbm>> -> memref<1x100000xf32, #tpu.memory_space<hbm>>
    %dma_start3A_62 = arith.constant 0 : i32
    %dma_start3A_63 = tpu.memref_slice %arg3[%add3A_24, %dma_start3A_62] : memref<256x100000xf32, #tpu.memory_space<hbm>> -> memref<1x100000xf32, #tpu.memory_space<hbm>>
    tpu.enqueue_dma source(%dma_start3A_63 : memref<1x100000xf32, #tpu.memory_space<hbm>>) target(%arg5 : memref<1x100000xf32, #tpu.memory_space<vmem>>) target_semaphore(%arg7 : memref<!tpu.dma_semaphore, #tpu.memory_space<semaphore_mem>>)
    %dma_start3A_64 = arith.constant 0 : i32
    %dma_start3A_65 = tpu.memref_slice %arg3[%add3A_30, %dma_start3A_64] : memref<256x100000xf32, #tpu.memory_space<hbm>> -> memref<1x100000xf32, #tpu.memory_space<hbm>>
    %dma_start3A_66 = arith.constant 0 : i32
    %dma_start3A_67 = tpu.memref_slice %arg3[%add3A_30, %dma_start3A_66] : memref<256x100000xf32, #tpu.memory_space<hbm>> -> memref<1x100000xf32, #tpu.memory_space<hbm>>
    tpu.enqueue_dma source(%dma_start3A_67 : memref<1x100000xf32, #tpu.memory_space<hbm>>) target(%arg5 : memref<1x100000xf32, #tpu.memory_space<vmem>>) target_semaphore(%arg7 : memref<!tpu.dma_semaphore, #tpu.memory_space<semaphore_mem>>)
    %dma_start3A_68 = arith.constant 0 : i32
    %dma_start3A_69 = tpu.memref_slice %arg3[%add3A_36, %dma_start3A_68] : memref<256x100000xf32, #tpu.memory_space<hbm>> -> memref<1x100000xf32, #tpu.memory_space<hbm>>
    %dma_start3A_70 = arith.constant 0 : i32
    %dma_start3A_71 = tpu.memref_slice %arg3[%add3A_36, %dma_start3A_70] : memref<256x100000xf32, #tpu.memory_space<hbm>> -> memref<1x100000xf32, #tpu.memory_space<hbm>>
    tpu.enqueue_dma source(%dma_start3A_71 : memref<1x100000xf32, #tpu.memory_space<hbm>>) target(%arg5 : memref<1x100000xf32, #tpu.memory_space<vmem>>) target_semaphore(%arg7 : memref<!tpu.dma_semaphore, #tpu.memory_space<semaphore_mem>>)
    %dma_start3A_72 = arith.constant 0 : i32
    %dma_start3A_73 = tpu.memref_slice %arg3[%add3A_42, %dma_start3A_72] : memref<256x100000xf32, #tpu.memory_space<hbm>> -> memref<1x100000xf32, #tpu.memory_space<hbm>>
    %dma_start3A_74 = arith.constant 0 : i32
    %dma_start3A_75 = tpu.memref_slice %arg3[%add3A_42, %dma_start3A_74] : memref<256x100000xf32, #tpu.memory_space<hbm>> -> memref<1x100000xf32, #tpu.memory_space<hbm>>
    tpu.enqueue_dma source(%dma_start3A_75 : memref<1x100000xf32, #tpu.memory_space<hbm>>) target(%arg5 : memref<1x100000xf32, #tpu.memory_space<vmem>>) target_semaphore(%arg7 : memref<!tpu.dma_semaphore, #tpu.memory_space<semaphore_mem>>)
    %dma_start3A_76 = arith.constant 0 : i32
    %dma_start3A_77 = tpu.memref_slice %arg3[%add3A_48, %dma_start3A_76] : memref<256x100000xf32, #tpu.memory_space<hbm>> -> memref<1x100000xf32, #tpu.memory_space<hbm>>
    %dma_start3A_78 = arith.constant 0 : i32
    %dma_start3A_79 = tpu.memref_slice %arg3[%add3A_48, %dma_start3A_78] : memref<256x100000xf32, #tpu.memory_space<hbm>> -> memref<1x100000xf32, #tpu.memory_space<hbm>>
    tpu.enqueue_dma source(%dma_start3A_79 : memref<1x100000xf32, #tpu.memory_space<hbm>>) target(%arg5 : memref<1x100000xf32, #tpu.memory_space<vmem>>) target_semaphore(%arg7 : memref<!tpu.dma_semaphore, #tpu.memory_space<semaphore_mem>>)
    %dma_wait3A = arith.constant 0 : i32
    %dma_wait3A_80 = tpu.memref_slice %arg3[%add3A_6, %dma_wait3A] : memref<256x100000xf32, #tpu.memory_space<hbm>> -> memref<1x100000xf32, #tpu.memory_space<hbm>>
    %dma_wait3A_81 = arith.constant 0 : i32
    %dma_wait3A_82 = tpu.memref_slice %arg3[%add3A_6, %dma_wait3A_81] : memref<256x100000xf32, #tpu.memory_space<hbm>> -> memref<1x100000xf32, #tpu.memory_space<hbm>>
    tpu.wait_dma2 semaphore(%arg7 : memref<!tpu.dma_semaphore, #tpu.memory_space<semaphore_mem>>) src(%dma_wait3A_82 : memref<1x100000xf32, #tpu.memory_space<hbm>>) dst(%arg5 : memref<1x100000xf32, #tpu.memory_space<vmem>>)
    %dma_wait3A_83 = arith.constant 0 : i32
    %dma_wait3A_84 = tpu.memref_slice %arg3[%add3A_12, %dma_wait3A_83] : memref<256x100000xf32, #tpu.memory_space<hbm>> -> memref<1x100000xf32, #tpu.memory_space<hbm>>
    %dma_wait3A_85 = arith.constant 0 : i32
    %dma_wait3A_86 = tpu.memref_slice %arg3[%add3A_12, %dma_wait3A_85] : memref<256x100000xf32, #tpu.memory_space<hbm>> -> memref<1x100000xf32, #tpu.memory_space<hbm>>
    tpu.wait_dma2 semaphore(%arg7 : memref<!tpu.dma_semaphore, #tpu.memory_space<semaphore_mem>>) src(%dma_wait3A_86 : memref<1x100000xf32, #tpu.memory_space<hbm>>) dst(%arg5 : memref<1x100000xf32, #tpu.memory_space<vmem>>)
    %dma_wait3A_87 = arith.constant 0 : i32
    %dma_wait3A_88 = tpu.memref_slice %arg3[%add3A_18, %dma_wait3A_87] : memref<256x100000xf32, #tpu.memory_space<hbm>> -> memref<1x100000xf32, #tpu.memory_space<hbm>>
    %dma_wait3A_89 = arith.constant 0 : i32
    %dma_wait3A_90 = tpu.memref_slice %arg3[%add3A_18, %dma_wait3A_89] : memref<256x100000xf32, #tpu.memory_space<hbm>> -> memref<1x100000xf32, #tpu.memory_space<hbm>>
    tpu.wait_dma2 semaphore(%arg7 : memref<!tpu.dma_semaphore, #tpu.memory_space<semaphore_mem>>) src(%dma_wait3A_90 : memref<1x100000xf32, #tpu.memory_space<hbm>>) dst(%arg5 : memref<1x100000xf32, #tpu.memory_space<vmem>>)
    %dma_wait3A_91 = arith.constant 0 : i32
    %dma_wait3A_92 = tpu.memref_slice %arg3[%add3A_24, %dma_wait3A_91] : memref<256x100000xf32, #tpu.memory_space<hbm>> -> memref<1x100000xf32, #tpu.memory_space<hbm>>
    %dma_wait3A_93 = arith.constant 0 : i32
    %dma_wait3A_94 = tpu.memref_slice %arg3[%add3A_24, %dma_wait3A_93] : memref<256x100000xf32, #tpu.memory_space<hbm>> -> memref<1x100000xf32, #tpu.memory_space<hbm>>
    tpu.wait_dma2 semaphore(%arg7 : memref<!tpu.dma_semaphore, #tpu.memory_space<semaphore_mem>>) src(%dma_wait3A_94 : memref<1x100000xf32, #tpu.memory_space<hbm>>) dst(%arg5 : memref<1x100000xf32, #tpu.memory_space<vmem>>)
    %dma_wait3A_95 = arith.constant 0 : i32
    %dma_wait3A_96 = tpu.memref_slice %arg3[%add3A_30, %dma_wait3A_95] : memref<256x100000xf32, #tpu.memory_space<hbm>> -> memref<1x100000xf32, #tpu.memory_space<hbm>>
    %dma_wait3A_97 = arith.constant 0 : i32
    %dma_wait3A_98 = tpu.memref_slice %arg3[%add3A_30, %dma_wait3A_97] : memref<256x100000xf32, #tpu.memory_space<hbm>> -> memref<1x100000xf32, #tpu.memory_space<hbm>>
    tpu.wait_dma2 semaphore(%arg7 : memref<!tpu.dma_semaphore, #tpu.memory_space<semaphore_mem>>) src(%dma_wait3A_98 : memref<1x100000xf32, #tpu.memory_space<hbm>>) dst(%arg5 : memref<1x100000xf32, #tpu.memory_space<vmem>>)
    %dma_wait3A_99 = arith.constant 0 : i32
    %dma_wait3A_100 = tpu.memref_slice %arg3[%add3A_36, %dma_wait3A_99] : memref<256x100000xf32, #tpu.memory_space<hbm>> -> memref<1x100000xf32, #tpu.memory_space<hbm>>
    %dma_wait3A_101 = arith.constant 0 : i32
    %dma_wait3A_102 = tpu.memref_slice %arg3[%add3A_36, %dma_wait3A_101] : memref<256x100000xf32, #tpu.memory_space<hbm>> -> memref<1x100000xf32, #tpu.memory_space<hbm>>
    tpu.wait_dma2 semaphore(%arg7 : memref<!tpu.dma_semaphore, #tpu.memory_space<semaphore_mem>>) src(%dma_wait3A_102 : memref<1x100000xf32, #tpu.memory_space<hbm>>) dst(%arg5 : memref<1x100000xf32, #tpu.memory_space<vmem>>)
    %dma_wait3A_103 = arith.constant 0 : i32
    %dma_wait3A_104 = tpu.memref_slice %arg3[%add3A_42, %dma_wait3A_103] : memref<256x100000xf32, #tpu.memory_space<hbm>> -> memref<1x100000xf32, #tpu.memory_space<hbm>>
    %dma_wait3A_105 = arith.constant 0 : i32
    %dma_wait3A_106 = tpu.memref_slice %arg3[%add3A_42, %dma_wait3A_105] : memref<256x100000xf32, #tpu.memory_space<hbm>> -> memref<1x100000xf32, #tpu.memory_space<hbm>>
    tpu.wait_dma2 semaphore(%arg7 : memref<!tpu.dma_semaphore, #tpu.memory_space<semaphore_mem>>) src(%dma_wait3A_106 : memref<1x100000xf32, #tpu.memory_space<hbm>>) dst(%arg5 : memref<1x100000xf32, #tpu.memory_space<vmem>>)
    %dma_wait3A_107 = arith.constant 0 : i32
    %dma_wait3A_108 = tpu.memref_slice %arg3[%add3A_48, %dma_wait3A_107] : memref<256x100000xf32, #tpu.memory_space<hbm>> -> memref<1x100000xf32, #tpu.memory_space<hbm>>
    %dma_wait3A_109 = arith.constant 0 : i32
    %dma_wait3A_110 = tpu.memref_slice %arg3[%add3A_48, %dma_wait3A_109] : memref<256x100000xf32, #tpu.memory_space<hbm>> -> memref<1x100000xf32, #tpu.memory_space<hbm>>
    tpu.wait_dma2 semaphore(%arg7 : memref<!tpu.dma_semaphore, #tpu.memory_space<semaphore_mem>>) src(%dma_wait3A_110 : memref<1x100000xf32, #tpu.memory_space<hbm>>) dst(%arg5 : memref<1x100000xf32, #tpu.memory_space<vmem>>)
    %mul3A_111 = arith.constant 2 : i32
    %mul3A_112 = arith.muli %mul3A_111, %add3A : i32
    %add3A_113 = arith.constant 0 : i32
    %add3A_114 = arith.addi %mul3A_112, %add3A_113 : i32
    "tpu.region"() ({
      %run_scoped3A = tpu.sem_alloc : memref<!tpu.dma_semaphore, #tpu.memory_space<semaphore_mem>>
      %dma_start3A_119 = arith.constant 0 : i32
      %dma_start3A_120 = tpu.memref_slice %arg4[%add3A_114, %dma_start3A_119] : memref<64x16384xf32, #tpu.memory_space<hbm>> -> memref<1x16384xf32, #tpu.memory_space<hbm>>
      %dma_start3A_121 = arith.constant 0 : i32
      %dma_start3A_122 = tpu.memref_slice %arg4[%add3A_114, %dma_start3A_121] : memref<64x16384xf32, #tpu.memory_space<hbm>> -> memref<1x16384xf32, #tpu.memory_space<hbm>>
      tpu.enqueue_dma source(%arg6 : memref<1x16384xf32, #tpu.memory_space<vmem>>) target(%dma_start3A_122 : memref<1x16384xf32, #tpu.memory_space<hbm>>) target_semaphore(%run_scoped3A : memref<!tpu.dma_semaphore, #tpu.memory_space<semaphore_mem>>)
      %dma_wait3A_123 = arith.constant 0 : i32
      %dma_wait3A_124 = tpu.memref_slice %arg4[%add3A_114, %dma_wait3A_123] : memref<64x16384xf32, #tpu.memory_space<hbm>> -> memref<1x16384xf32, #tpu.memory_space<hbm>>
      %dma_wait3A_125 = arith.constant 0 : i32
      %dma_wait3A_126 = tpu.memref_slice %arg4[%add3A_114, %dma_wait3A_125] : memref<64x16384xf32, #tpu.memory_space<hbm>> -> memref<1x16384xf32, #tpu.memory_space<hbm>>
      tpu.wait_dma2 semaphore(%run_scoped3A : memref<!tpu.dma_semaphore, #tpu.memory_space<semaphore_mem>>) src(%arg6 : memref<1x16384xf32, #tpu.memory_space<vmem>>) dst(%dma_wait3A_126 : memref<1x16384xf32, #tpu.memory_space<hbm>>)
      tpu.yield
    }) : () -> ()
    %mul3A_115 = arith.constant 2 : i32
    %mul3A_116 = arith.muli %mul3A_115, %add3A : i32
    %add3A_117 = arith.constant 1 : i32
    %add3A_118 = arith.addi %mul3A_116, %add3A_117 : i32
    "tpu.region"() ({
      %run_scoped3A = tpu.sem_alloc : memref<!tpu.dma_semaphore, #tpu.memory_space<semaphore_mem>>
      %dma_start3A_119 = arith.constant 0 : i32
      %dma_start3A_120 = tpu.memref_slice %arg4[%add3A_118, %dma_start3A_119] : memref<64x16384xf32, #tpu.memory_space<hbm>> -> memref<1x16384xf32, #tpu.memory_space<hbm>>
      %dma_start3A_121 = arith.constant 0 : i32
      %dma_start3A_122 = tpu.memref_slice %arg4[%add3A_118, %dma_start3A_121] : memref<64x16384xf32, #tpu.memory_space<hbm>> -> memref<1x16384xf32, #tpu.memory_space<hbm>>
      tpu.enqueue_dma source(%arg6 : memref<1x16384xf32, #tpu.memory_space<vmem>>) target(%dma_start3A_122 : memref<1x16384xf32, #tpu.memory_space<hbm>>) target_semaphore(%run_scoped3A : memref<!tpu.dma_semaphore, #tpu.memory_space<semaphore_mem>>)
      %dma_wait3A_123 = arith.constant 0 : i32
      %dma_wait3A_124 = tpu.memref_slice %arg4[%add3A_118, %dma_wait3A_123] : memref<64x16384xf32, #tpu.memory_space<hbm>> -> memref<1x16384xf32, #tpu.memory_space<hbm>>
      %dma_wait3A_125 = arith.constant 0 : i32
      %dma_wait3A_126 = tpu.memref_slice %arg4[%add3A_118, %dma_wait3A_125] : memref<64x16384xf32, #tpu.memory_space<hbm>> -> memref<1x16384xf32, #tpu.memory_space<hbm>>
      tpu.wait_dma2 semaphore(%run_scoped3A : memref<!tpu.dma_semaphore, #tpu.memory_space<semaphore_mem>>) src(%arg6 : memref<1x16384xf32, #tpu.memory_space<vmem>>) dst(%dma_wait3A_126 : memref<1x16384xf32, #tpu.memory_space<hbm>>)
      tpu.yield
    }) : () -> ()
    return
  }
}

</mosaic_0001>

<sc_bundles>
// kernel: kernel.3.cloned.1.call-start
scs
__scs_entry_jumppad:
0x0: {  	(pc) =	sbr.rel $0x88, $3  }
0x1: {  	(tag) =	ssettag $0x0;
	lr =	simm.s32 $0x1  }
0x2: {  	[smem:$0x3F9F] =	sst lr;
	_ =	strace $0xD0000000  }
0x3: {  	_ = 	snop  }
0x4: {  	_ = 	snop  }
0x5: {  	_ = 	snop  }
0x6: {  	_ = 	snop  }
0x7: {  	_ = 	snop  }
__scs_overlays_trampoline_lowered:
0x8: {  	[smem:$0x3FAE] =	sst s0  }
0x9: {  	[smem:$0x3FAF] =	sst s1  }
0xa: {  	[smem:$0x3FB0] =	sst s2  }
0xb: {  	[smem:$0x3FB1] =	sst s3  }
0xc: {  	[smem:$0x3FB2] =	sst s4  }
0xd: {  	[smem:$0x3FB3] =	sst s5  }
0xe: {  	[smem:$0x3FB4] =	sst s6  }
0xf: {  	[smem:$0x3FB5] =	sst s7  }
0x10: {  	[smem:$0x3FB6] =	sst s8  }
0x11: {  	[smem:$0x3FB7] =	sst s9;
	s0 =	simm.s32 @!p0 $0x0  }
0x12: {  	s1 =	sld [smem:$0x3F9D];
	s0 =	simm.s32 @p0 $0x1  }
0x13: {  	[smem:$0x3FB8] =	sst s0;
	s0 =	simm.s32 @!p1 $0x0  }
0x14: {  	s2 =	sld [smem:$0x3F9C];
	s0 =	simm.s32 @p1 $0x1  }
0x15: {  	[smem:$0x3FB9] =	sst s0;
	s0 =	simm.s32 @!p2 $0x0  }
0x16: {  	s3 =	sld [smem:$0x3FDB];
	s0 =	simm.s32 @p2 $0x1  }
0x17: {  	s4 =	simm.s32 $0x1BF5;
	[smem:$0x3FBB] =	sst s0  }
0x18: {  	s0 =	sld [smem:$0x3F9E];
	_ =	swait.ge [sflag:s4], $0x0  }
0x19: {  	s7 =	sld [smem:$0x3F9F]  }
0x1a: {  	s8 =	sadd.s32 $0xFFFFE003, lr  }
0x1b: {  	s9 =	sadd.s32 $0xFFFFFEF7, lr;
	s5 =	simm.s32 $0xFFFFFFFF;
	p2 =	slt.u32 s8, $0xFFFFF086  }
0x1c: {  	p1 =	slt.u32 s9, $0xF7A;
	s5 =	simm.s32 @!p2 $0x0  }
0x1d: {  	s5 =	simm.s32 @p1 $0x1;
	p0 =	seq.s32 s7, s2  }
0x1e: {  	s7 =	smul.u32 @!p0 $0xF7A, s2;
	p2 =	seq.s32 @!p0 s5, $0x0  }
0x1f: {  	s9 =	smul.u32 $0xF7A, s1;
	s8 =	simm.s32 @!p0 $0x1BF5;
	p2 =	por !p2, p0  }
0x20: {  	[sflag:s8] =	ssyncset.s32 @!p0 $0xFFFFF086;
	s6 =	sadd.s32 @!p0 s3, s7;
	s7 =	simm.s32 @!p0 $0x108  }
0x21: {  	s3 =	sadd.s32 s3, s9;
	s6 =	sadd.s32 @!p0 $0x88, s6;
	s7 =	simm.s32 @p2 $0x1082  }
0x22: {  	[simem:s7], [sflag:s8] =	dma.local @!p0 [hbm:s6], $0xF7A  }
0x23: {  	s9 =	sor.u32 $0xD0000000, s2;
	s6 =	simm.s32 $0x108;
	_ =	swait.ge @!p0 [sflag:s8], $0x0  }
0x24: {  	s3 =	sadd.s32 $0x88, s3;
	s6 =	simm.s32 @!p1 $0x1082;
	[sflag:s4] =	ssyncset.s32 $0xFFFFF086  }
0x25: {  	[simem:s6], [sflag:s4] =	dma.local [hbm:s3], $0xF7A  }
0x26: {  	[smem:$0x3F9F] =	sst s1;
	(tag) =	ssettag s2;
	_ =	strace s9  }
0x27: {  	s1 =	sld [smem:$0x3FAF]  }
0x28: {  	s2 =	sld [smem:$0x3FB0]  }
0x29: {  	s4 =	sld [smem:$0x3FB2]  }
0x2a: {  	p0 =	seq.s32 s5, $0x0;
	s5 =	sld [smem:$0x3FB3]  }
0x2b: {  	s6 =	sld [smem:$0x3FB4]  }
0x2c: {  	s7 =	sld [smem:$0x3FB5]  }
0x2d: {  	s3 =	simm.s32 $0x108;
	s8 =	sld [smem:$0x3FB6]  }
0x2e: {  	s3 =	simm.s32 @!p0 $0x1082;
	s9 =	sld [smem:$0x3FB7]  }
0x2f: {  	lr =	sadd.s32 s0, s3;
	s0 =	sld [smem:$0x3FAE]  }
0x30: {  	s3 =	sld [smem:$0x3FB1]  }
0x31: {  	[smem:$0x3FBA] =	sst s10  }
0x32: {  	s10 =	sld [smem:$0x3FB8];
	_ =	sdelay $0x3  }
0x33: {  	p0 =	seq.s32 s10, $0x1;
	s10 =	sld [smem:$0x3FBA];
	_ =	sdelay $0x3  }
0x34: {  	[smem:$0x3FBA] =	sst s10  }
0x35: {  	s10 =	sld [smem:$0x3FB9];
	_ =	sdelay $0x3  }
0x36: {  	p1 =	seq.s32 s10, $0x1;
	s10 =	sld [smem:$0x3FBA];
	_ =	sdelay $0x3  }
0x37: {  	[smem:$0x3FBA] =	sst s10  }
0x38: {  	s10 =	sld [smem:$0x3FBB]  }
0x39: {  	_ = 	snop;
	(pc) =	sbr.ind lr, $3  }
0x3a: {  	_ = 	snop  }
0x3b: {  	_ = 	snop  }
0x3c: {  	p2 =	seq.s32 s10, $0x1;
	s10 =	sld [smem:$0x3FBA]  }
0x3d: {  	_ =	shalt  }
0x3e: {  	_ =	shalt  }
0x3f: {  	_ =	shalt  }
0x40: {  	_ =	shalt  }
0x41: {  	_ =	shalt  }
0x42: {  	_ =	shalt  }
0x43: {  	_ =	shalt  }
0x44: {  	_ =	shalt  }
0x45: {  	_ =	shalt  }
0x46: {  	_ =	shalt  }
0x47: {  	_ =	shalt  }
0x48: {  	_ =	shalt  }
0x49: {  	_ =	shalt  }
0x4a: {  	_ =	shalt  }
0x4b: {  	_ =	shalt  }
0x4c: {  	_ =	shalt  }
0x4d: {  	_ =	shalt  }
0x4e: {  	_ =	shalt  }
0x4f: {  	_ =	shalt  }
0x50: {  	_ =	shalt  }
0x51: {  	_ =	shalt  }
0x52: {  	_ =	shalt  }
0x53: {  	_ =	shalt  }
0x54: {  	_ =	shalt  }
0x55: {  	_ =	shalt  }
0x56: {  	_ =	shalt  }
0x57: {  	_ =	shalt  }
0x58: {  	_ =	shalt  }
0x59: {  	_ =	shalt  }
0x5a: {  	_ =	shalt  }
0x5b: {  	_ =	shalt  }
0x5c: {  	_ =	shalt  }
0x5d: {  	_ =	shalt  }
0x5e: {  	_ =	shalt  }
0x5f: {  	_ =	shalt  }
0x60: {  	_ =	shalt  }
0x61: {  	_ =	shalt  }
0x62: {  	_ =	shalt  }
0x63: {  	_ =	shalt  }
0x64: {  	_ =	shalt  }
0x65: {  	_ =	shalt  }
0x66: {  	_ =	shalt  }
0x67: {  	_ =	shalt  }
0x68: {  	_ =	shalt  }
0x69: {  	_ =	shalt  }
0x6a: {  	_ =	shalt  }
0x6b: {  	_ =	shalt  }
0x6c: {  	_ =	shalt  }
0x6d: {  	_ =	shalt  }
0x6e: {  	_ =	shalt  }
0x6f: {  	_ =	shalt  }
0x70: {  	_ =	shalt  }
0x71: {  	_ =	shalt  }
0x72: {  	_ =	shalt  }
0x73: {  	_ =	shalt  }
0x74: {  	_ =	shalt  }
0x75: {  	_ =	shalt  }
0x76: {  	_ =	shalt  }
0x77: {  	_ =	shalt  }
0x78: {  	_ =	shalt  }
0x79: {  	_ =	shalt  }
0x7a: {  	_ =	shalt  }
0x7b: {  	_ =	shalt  }
0x7c: {  	_ =	shalt  }
0x7d: {  	_ =	shalt  }
0x7e: {  	_ =	shalt  }
0x7f: {  	_ =	shalt  }
0x80: {  	_ =	shalt  }
0x81: {  	_ =	shalt  }
0x82: {  	_ =	shalt  }
0x83: {  	_ =	shalt  }
0x84: {  	_ =	shalt  }
0x85: {  	_ =	shalt  }
0x86: {  	_ =	shalt  }
0x87: {  	_ =	shalt  }
.Lfunc_end0:
.L_simem_size_0:
called_computation_lowered:
.L_overlay_start_0:
0x88: {  	s2 =	sld [smem:$0x3FD9]  }
0x89: {  	s3 =	sld [smem:$0x3FFE];
	_ =	sdelay $0x1  }
0x8a: {  	s1 =	srdreg.scid  }
0x8b: {  	s0 =	sand.u32 $0x1, s1  }
0x8c: {  	s18 =	sshll.u32 s0, $0xA;
	s2 =	sadd.s32 s3, s2  }
0x8d: {  	s2 =	sadd.s32 s2, s18  }
0x8e: {  	[smem:$0x3FC6] =	sst s2  }
0x8f: {  	_ = 	snop  }
0x90: {  	s2 =	sld [smem:$0x3FC8]  }
0x91: {  	s19 =	sld [smem:$0x3FD0];
	(tm) =	ssettm $0x1  }
0x92: {  	s4 =	sld [smem:$0x3FFB];
	_ =	sdelay $0x3  }
0x93: {  	_ =	strace s4  }
0x94: {  	s4 =	sld [smem:$0x3FFC];
	_ =	sdelay $0x3  }
0x95: {  	_ =	strace s4  }
0x96: {  	s4 =	sld [smem:$0x3FFD];
	_ =	sdelay $0x3  }
0x97: {  	_ =	strace s4  }
0x98: {  	_ =	strace $0x8FFFFFFF  }
0x99: {  	s20 =	sld [smem:$0x3FDB];
	_ =	sdelay $0x1  }
0x9a: {  	s5 =	simm.s32 $_scs_section_size  }
0x9b: {  	s6 =	simm.s32 $_size__tile_overlayer_lowered;
	s7 =	simm.s32 $_tile_overlayer_lowered  }
0x9c: {  	s23 =	simm.s32 $0x1BFF;
	s22 =	sshll.u32 s7, $0x1;
	s4 =	sadd.s32 s5, s20  }
0x9d: {  	s8 =	simm.s32 $0x0;
	s21 =	sshll.u32 s6, $0x1;
	s6 =	sadd.s32 s22, s4  }
0x9e: {  	[timem:s8], [sflag:s23] =	dma.local [hbm:s6], s21  }
0x9f: {  	_ =	swait.ge [sflag:s23], s21  }
0xa0: {  	s5 =	ssub.s32 $0x0, s21;
	[sflag:s23] =	ssyncset.done $0x0  }
0xa1: {  	[sflag:s23] =	ssyncadd.s32 s5;
	_ =	sdelay $0x1  }
0xa2: {  	s24 =	simm.s32 $0x1B8B  }
0xa3: {  	_ =	swait.ge [sflag:s24], $0x1  }
0xa4: {  	[sflag:s24] =	ssyncset.done $0x0  }
0xa5: {  	s25 =	simm.s32 $0x1B8E;
	[sflag:s24] =	ssyncadd.s32 $0xFFFFFFFF  }
0xa6: {  	s26 =	simm.s32 $execute0_lowered;
	[smem:$0x3FD2] =	sst s25  }
0xa7: {  	s5 =	sshll.u32 s26, $0x1;
	_ =	strace $0x80000046;
	[dreg:$0x1] =	wrdreg $0xFFFFFFFF  }
0xa8: {  	s28 =	simm.s32 $_size_execute0_lowered;
	s4 =	sadd.s32 s4, s5;
	[dreg:$0x0] =	wrdreg $0x0  }
0xa9: {  	s5 =	sshll.u32 s28, $0x1;
	[dreg:$0x2] =	wrdreg s4  }
0xaa: {  	[dreg:$0x3] =	wrdreg s5  }
0xab: {  	[dreg:$0x4] =	wrdreg $0xC0  }
0xac: {  	_ =	task [dreg:s8], $0x5FFFF  }
0xad: {  	[dreg:$0x1] =	wrdreg $0xFFFFFFFF  }
0xae: {  	[dreg:$0x0] =	wrdreg $0x60  }
0xaf: {  	[dreg:$0x2] =	wrdreg s2  }
0xb0: {  	[dreg:$0x3] =	wrdreg s19  }
0xb1: {  	[dreg:$0x4] =	wrdreg $0x9  }
0xb2: {  	_ =	task.clear_ibuf [dreg:s8], $0x5FFFF;
	_ =	strace $0x90000046  }
0xb3: {  	s29 =	simm.s32 $0x9;
	_ =	strace $0x80000048  }
0xb4: {  	_ =	swait.ge [sflag:s29], $0x1  }
0xb5: {  	[sflag:s29] =	ssyncadd.s32 $0xFFFFFFFF  }
0xb6: {  	_ =	strace $0x90000048  }
0xb7: {  	_ =	sfence  }
0xb8: {  	s30 =	sld [smem:$0x0];
	_ =	sdelay $0x2  }
0xb9: {  	s31 =	sshll.u32 s1, $0xD;
	s1 =	sshrl.u32 s1, $0x2  }
0xba: {  	s3 =	sand.u32 $0x4000, s31;
	s1 =	sadd.s32 s1, s30  }
0xbb: {  	s0 =	sor.u32 s3, s0;
	s1 =	sshll.u32 s1, $0x11  }
0xbc: {  	s0 =	sor.u32 s1, s0  }
0xbd: {  	s0 =	sadd.s32 $0x8F2B, s0  }
0xbe: {  	[sflag:s0] =	ssyncadd.remote.s32 $0x1  }
0xbf: {  	_ =	sfence.sel $0xFFFF  }
0xc0: {  	[dreg:$0x0] =	wrdreg $0xFFFFFFFF;
	(pc) =	sbr.abs _section_cstart, $3  }
0xc1: {  	[dreg:$0x1] =	wrdreg $0xFFFFFFFF  }
0xc2: {  	_ =	task.clear_ibuf [dreg:s8], $0x2FFFF;
	_ =	strace $0x9FFFFFFF  }
0xc3: {  	(tm) =	ssettm $0x7FFFFFFF  }
tec
execute0_lowered:
.L_overlay_start_1:
0x0: {  	(tag) =	ssettag $0x1  }
0x1: {  	s12 =	rddreg [dreg:$0x0];
	s0 =	srdreg.scid  }
0x2: {  	s17 =	rddreg [dreg:$0x1];
	s1 =	stileid.u32  }
0x3: {  	s2 =	simm.s32 $0x0;
	s14 =	sand.u32 $0x1, s0;
	s0 =	rddreg [dreg:$0x2]  }
0x4: {  	s3 =	sshll.u32 s1, $0x2;
	s15 =	sshrl.u32 s1, $0x1;
	s4 =	sshll.u32 s14, $0x1  }
0x5: {  	[smem:$0x7FF] =	sst s2;
	s7 =	smul.u32 $0xC3800, s15;
	s3 =	sor.u32 s4, s3  }
0x6: {  	_ =	strace $0x80000047;
	s4 =	sshll.u32 s3, $0x7;
	s8 =	sor.u32 $0x41, s3  }
0x7: {  	s10 =	sor.u32 $0x81, s3;
	s11 =	sor.u32 $0xC1, s3;
	s16 =	sand.u32 $0x300, s4  }
0x8: {  	s19 =	sshrl.u32 s8, $0x3;
	s20 =	sshll.u32 s8, $0x7;
	s8 =	simm.s32 $0x400  }
0x9: {  	s22 =	sshrl.u32 s10, $0x3;
	s10 =	sshll.u32 s10, $0x7;
	s5 =	sor.u32 s7, s16  }
0xa: {  	s23 =	sshrl.u32 s11, $0x3;
	s18 =	sor.u32 $0x80, s16;
	s6 =	sshrl.u32 s5, $0x3  }
0xb: {  	s9 =	sadd.s32 $0x61C000, s5;
	s3 =	sadd.s32 s12, s6;
	s6 =	sadd.s32 $0xC38000, s5  }
0xc: {  	s4 =	sshrl.u32 s9, $0x3;
	s9 =	sadd.s32 $0x1254000, s5;
	s6 =	sshrl.u32 s6, $0x3  }
0xd: {  	s7 =	sor.u32 s7, s18;
	s13 =	sshrl.u32 s9, $0x3;
	s5 =	sadd.s32 s12, s6  }
0xe: {  	s6 =	sadd.s32 s12, s13;
	s13 =	sshrl.u32 s7, $0x3;
	s7 =	simm.s32 $0x80  }
0xf: {  	[tilespmem:s2], [sflag:$0x1] =	stream.strided.gather [hbm4b:s3+s7], $0x18700, s8, s7, $0x38;
	[tilespmem:$0x1C700] =	vst v63  }
0x10: {  	s19 =	smul.u32 $0xC3800, s19;
	s20 =	sand.u32 $0x380, s20;
	s4 =	sadd.s32 s12, s4  }
0x11: {  	[tilespmem:s2], [sflag:$0x1] =	stream.strided.gather [hbm4b:s4+s7], $0x18700, s8, s7, $0x38;
	[tilespmem:$0x1C700] =	vst v63  }
0x12: {  	s11 =	sshll.u32 s11, $0x7;
	s21 =	sor.u32 s20, s19;
	s19 =	smul.u32 $0xC3800, s22  }
0x13: {  	[tilespmem:s2], [sflag:$0x1] =	stream.strided.gather [hbm4b:s5+s7], $0x18700, s8, s7, $0x38;
	[tilespmem:$0x1C700] =	vst v63  }
0x14: {  	s10 =	sand.u32 $0x380, s10;
	s11 =	sand.u32 $0x380, s11;
	s20 =	smul.u32 $0xC3800, s23  }
0x15: {  	[tilespmem:s2], [sflag:$0x1] =	stream.strided.gather [hbm4b:s6+s7], $0x18700, s8, s7, $0x38;
	[tilespmem:$0x1C700] =	vst v63  }
0x16: {  	s19 =	sor.u32 s10, s19;
	s9 =	sadd.s32 s12, s13;
	s13 =	sshrl.u32 s21, $0x3  }
0x17: {  	[tilespmem:s2], [sflag:$0x1] =	stream.strided.gather [hbm4b:s9+s7], $0x18700, s8, s7, $0x38;
	[tilespmem:$0x1C700] =	vst v63  }
0x18: {  	s25 =	sor.u32 s11, s20;
	s24 =	sshrl.u32 s19, $0x3;
	s10 =	sadd.s32 s12, s13  }
0x19: {  	[tilespmem:s2], [sflag:$0x1] =	stream.strided.gather [hbm4b:s10+s7], $0x18700, s8, s7, $0x38;
	[tilespmem:$0x1C700] =	vst v63  }
0x1a: {  	s26 =	sshrl.u32 s25, $0x3;
	s11 =	sadd.s32 s12, s24  }
0x1b: {  	[tilespmem:s2], [sflag:$0x1] =	stream.strided.gather [hbm4b:s11+s7], $0x18700, s8, s7, $0x38;
	[tilespmem:$0x1C700] =	vst v63  }
0x1c: {  	s12 =	sadd.s32 s12, s26;
	s13 =	simm.s32 $0x1  }
0x1d: {  	[tilespmem:s2], [sflag:$0x1] =	stream.strided.gather [hbm4b:s12+s7], $0x18700, s8, s7, $0x38;
	[tilespmem:$0x1C700] =	vst v63  }
0x1e: {  	_ =	swait.ge [sflag:s13], $0x18700  }
0x1f: {  	[sflag:s13] =	ssyncset.done $0x0  }
0x20: {  	[sflag:s13] =	ssyncadd.s32 $0xFFFE7900  }
0x21: {  	_ =	swait.ge [sflag:s13], $0x18700  }
0x22: {  	[sflag:s13] =	ssyncset.done $0x0  }
0x23: {  	[sflag:s13] =	ssyncadd.s32 $0xFFFE7900  }
0x24: {  	_ =	swait.ge [sflag:s13], $0x18700  }
0x25: {  	[sflag:s13] =	ssyncset.done $0x0  }
0x26: {  	[sflag:s13] =	ssyncadd.s32 $0xFFFE7900  }
0x27: {  	_ =	swait.ge [sflag:s13], $0x18700  }
0x28: {  	[sflag:s13] =	ssyncset.done $0x0  }
0x29: {  	[sflag:s13] =	ssyncadd.s32 $0xFFFE7900  }
0x2a: {  	_ =	swait.ge [sflag:s13], $0x18700  }
0x2b: {  	[sflag:s13] =	ssyncset.done $0x0  }
0x2c: {  	[sflag:s13] =	ssyncadd.s32 $0xFFFE7900  }
0x2d: {  	_ =	swait.ge [sflag:s13], $0x18700  }
0x2e: {  	[sflag:s13] =	ssyncset.done $0x0  }
0x2f: {  	[sflag:s13] =	ssyncadd.s32 $0xFFFE7900  }
0x30: {  	_ =	swait.ge [sflag:s13], $0x18700  }
0x31: {  	s28 =	sshll.u32 s15, $0x11;
	s29 =	ssub.s32 $0x2, s14;
	[sflag:s13] =	ssyncset.done $0x0  }
0x32: {  	s30 =	sshrl.u32 s29, $0x1;
	s15 =	sor.u32 s28, s16;
	[sflag:s13] =	ssyncadd.s32 $0xFFFE7900  }
0x33: {  	s16 =	simm.s32 $0x18700;
	s15 =	sshrl.u32 s15, $0x3;
	_ =	swait.ge [sflag:s13], $0x18700  }
0x34: {  	s14 =	sadd.s32 s17, s15;
	s19 =	ssub.s32 s29, s30;
	[sflag:s13] =	ssyncset.done $0x0  }
0x35: {  	s15 =	simm.s32 $0x2;
	s31 =	smax.u32 s19, $0x1;
	[sflag:s13] =	ssyncadd.s32 $0xFFFE7900  }
0x36: {  	[hbm4b:s14+s7] =	stream.strided.scatter [tilespmem:s16], [sflag:$0x2], $0x4000, s8, s7, $0x38;
	[tilespmem:$0x1C700] =	vst v63  }
0x37: {  	s18 =	sor.u32 s28, s18;
	p0 =	sne.s32 s31, $0x1;
	_ =	swait.ge [sflag:s15], $0x4000  }
.Ltmp0:
0x38: {  	s18 =	sshrl.u32 s18, $0x3;
	[sflag:s15] =	ssyncset.done $0x0;
	(pc) =	sbr.rel @!p0 .LBB2_2-.Ltmp0, $4  }
0x39: {  	s17 =	sadd.s32 s17, s18;
	[sflag:s15] =	ssyncadd.s32 $0xFFFFC000  }
0x3a: {  	[hbm4b:s17+s7] =	stream.strided.scatter [tilespmem:s16], [sflag:$0x2], $0x4000, s8, s7, $0x38;
	[tilespmem:$0x1C700] =	vst v63  }
0x3b: {  	_ =	swait.ge [sflag:s15], $0x4000  }
0x3c: {  	s18 =	sadd.s32 $0xFFFFFFFF, s31;
	[sflag:s15] =	ssyncset.done $0x0  }
.LBB2_1:
0x3d: {  	p0 =	sne.s32 s18, $0x1;
	s18 =	sadd.s32 $0xFFFFFFFF, s18;
	[sflag:s15] =	ssyncadd.s32 $0xFFFFC000  }
0x3e: {  	[tilespmem:s2], [sflag:$0x1] =	stream.strided.gather [hbm4b:s3+s7], $0x18700, s8, s7, $0x38;
	[tilespmem:$0x1C700] =	vst v63  }
0x3f: {  	_ = 	snop  }
0x40: {  	[tilespmem:s2], [sflag:$0x1] =	stream.strided.gather [hbm4b:s4+s7], $0x18700, s8, s7, $0x38;
	[tilespmem:$0x1C700] =	vst v63  }
0x41: {  	_ = 	snop  }
0x42: {  	[tilespmem:s2], [sflag:$0x1] =	stream.strided.gather [hbm4b:s5+s7], $0x18700, s8, s7, $0x38;
	[tilespmem:$0x1C700] =	vst v63  }
0x43: {  	_ = 	snop  }
0x44: {  	[tilespmem:s2], [sflag:$0x1] =	stream.strided.gather [hbm4b:s6+s7], $0x18700, s8, s7, $0x38;
	[tilespmem:$0x1C700] =	vst v63  }
0x45: {  	_ = 	snop  }
0x46: {  	[tilespmem:s2], [sflag:$0x1] =	stream.strided.gather [hbm4b:s9+s7], $0x18700, s8, s7, $0x38;
	[tilespmem:$0x1C700] =	vst v63  }
0x47: {  	_ = 	snop  }
0x48: {  	[tilespmem:s2], [sflag:$0x1] =	stream.strided.gather [hbm4b:s10+s7], $0x18700, s8, s7, $0x38;
	[tilespmem:$0x1C700] =	vst v63  }
0x49: {  	_ = 	snop  }
0x4a: {  	[tilespmem:s2], [sflag:$0x1] =	stream.strided.gather [hbm4b:s11+s7], $0x18700, s8, s7, $0x38;
	[tilespmem:$0x1C700] =	vst v63  }
0x4b: {  	_ = 	snop  }
0x4c: {  	[tilespmem:s2], [sflag:$0x1] =	stream.strided.gather [hbm4b:s12+s7], $0x18700, s8, s7, $0x38;
	[tilespmem:$0x1C700] =	vst v63  }
0x4d: {  	_ =	swait.ge [sflag:s13], $0x18700  }
0x4e: {  	[sflag:s13] =	ssyncset.done $0x0  }
0x4f: {  	[sflag:s13] =	ssyncadd.s32 $0xFFFE7900  }
0x50: {  	_ =	swait.ge [sflag:s13], $0x18700  }
0x51: {  	[sflag:s13] =	ssyncset.done $0x0  }
0x52: {  	[sflag:s13] =	ssyncadd.s32 $0xFFFE7900  }
0x53: {  	_ =	swait.ge [sflag:s13], $0x18700  }
0x54: {  	[sflag:s13] =	ssyncset.done $0x0  }
0x55: {  	[sflag:s13] =	ssyncadd.s32 $0xFFFE7900  }
0x56: {  	_ =	swait.ge [sflag:s13], $0x18700  }
0x57: {  	[sflag:s13] =	ssyncset.done $0x0  }
0x58: {  	[sflag:s13] =	ssyncadd.s32 $0xFFFE7900  }
0x59: {  	_ =	swait.ge [sflag:s13], $0x18700  }
0x5a: {  	[sflag:s13] =	ssyncset.done $0x0  }
0x5b: {  	[sflag:s13] =	ssyncadd.s32 $0xFFFE7900  }
0x5c: {  	_ =	swait.ge [sflag:s13], $0x18700  }
0x5d: {  	[sflag:s13] =	ssyncset.done $0x0  }
0x5e: {  	[sflag:s13] =	ssyncadd.s32 $0xFFFE7900  }
0x5f: {  	_ =	swait.ge [sflag:s13], $0x18700  }
0x60: {  	[sflag:s13] =	ssyncset.done $0x0  }
0x61: {  	[sflag:s13] =	ssyncadd.s32 $0xFFFE7900  }
0x62: {  	_ =	swait.ge [sflag:s13], $0x18700  }
0x63: {  	[sflag:s13] =	ssyncset.done $0x0  }
0x64: {  	[sflag:s13] =	ssyncadd.s32 $0xFFFE7900  }
0x65: {  	[hbm4b:s14+s7] =	stream.strided.scatter [tilespmem:s16], [sflag:$0x2], $0x4000, s8, s7, $0x38;
	[tilespmem:$0x1C700] =	vst v63  }
0x66: {  	_ =	swait.ge [sflag:s15], $0x4000  }
.Ltmp1:
0x67: {  	[sflag:s15] =	ssyncset.done $0x0;
	(pc) =	sbr.rel @p0 .LBB2_1-.Ltmp1, $4  }
0x68: {  	[sflag:s15] =	ssyncadd.s32 $0xFFFFC000  }
0x69: {  	[hbm4b:s17+s7] =	stream.strided.scatter [tilespmem:s16], [sflag:$0x2], $0x4000, s8, s7, $0x38;
	[tilespmem:$0x1C700] =	vst v63  }
0x6a: {  	_ =	swait.ge [sflag:s15], $0x4000  }
0x6b: {  	[sflag:s15] =	ssyncset.done $0x0  }
.LBB2_2:
0x6c: {  	[sflag:s15] =	ssyncadd.s32 $0xFFFFC000  }
0x6d: {  	_ =	sfence.sel $0x180000  }
0x6e: {  	[bflag:$0x0] =	sbarrier.arrive $0xFFFF  }
0x6f: {  	p0 =	sne.s32 s1, $0x0;
	_ =	strace $0x90000047  }
0x70: {  	s0 =	sadd.s32 @!p0 $0x100000, s0;
	[bflag:$0x2] =	sbarrier.arrive $0xFFFF  }
0x71: {  	[sflag:s0] =	ssyncadd.tile.s32 @!p0 $0x1;
	_ =	shalt  }
.Lfunc_end2:
_tile_overlayer_lowered:
.L_overlay_start_2:
0x72: {  	(tag) =	ssettag $0x2  }
0x73: {  	s0 =	rddreg [dreg:$0x0];
	s2 =	stileid.u32  }
0x74: {  	s1 =	rddreg [dreg:$0x1];
	p0 =	sne.s32 s2, $0x0  }
0x75: {  	s3 =	rddreg [dreg:$0x2];
	[bflag:$0x3] =	sbarrier.arrive $0xFFFF;
	s2 =	simm.s32 @!p0 $0x1C02  }
0x76: {  	[timem:s3], [sflag:s2] =	dma.local @!p0 [hbm:s0], s1  }
0x77: {  	s0 =	simm.s32 @!p0 $0x2  }
0x78: {  	_ =	swait.ge @!p0 [sflag:s0], s1  }
0x79: {  	s1 =	ssub.s32 @!p0 $0x0, s1;
	[sflag:s0] =	ssyncset.done @!p0 $0x0  }
0x7a: {  	[sflag:s0] =	ssyncadd.s32 @!p0 s1  }
0x7b: {  	[bflag:$0x3] =	sbarrier.arrive $0xFFFF  }
0x7c: {  	_ =	shalt  }

</sc_bundles>
